<compile_context>
chip_gen: v7x
topology: tpu7x:2x2x1
jax: 0.10.2.dev20260603
libtpu: 0.0.44.dev20260713+nightly
codegen_flags: <defaults>
</compile_context>

<pallas_src>
import functools

import jax
import jax.numpy as jnp
from jax import lax
from jax.experimental import pallas as pl
from jax.experimental.pallas import tpu as pltpu
from jax.experimental.pallas import tpu_sc as plsc

_B = 4
_S = 4096
_D = 1024
_NC = 2
_NS = 16
_NW = _NC * _NS
_WPB = _NW // _B
_BPW = _S // _WPB
_C = 32
_NCH = _BPW // _C
_NP = _NCH // 2

_mesh = plsc.VectorSubcoreMesh(core_axis_name="c", subcore_axis_name="s")


@functools.partial(
    pl.kernel,
    mesh=_mesh,
    out_type=jax.ShapeDtypeStruct((_B, _S, _D), jnp.float32),
    scratch_types=[
        pltpu.VMEM((_BPW,), jnp.int32),
        pltpu.VMEM((_C, _D), jnp.float32),
        pltpu.VMEM((_C, _D), jnp.float32),
        pltpu.SemaphoreType.DMA,
        pltpu.SemaphoreType.DMA,
    ],
)
def _gather(ids_hbm, table_hbm, out_hbm, idx_v, buf0, buf1, gsem0, gsem1):
    wid = lax.axis_index("s") * _NC + lax.axis_index("c")
    row = wid // _WPB
    col = (wid % _WPB) * _BPW
    pltpu.sync_copy(ids_hbm.at[row, pl.ds(col, _BPW)], idx_v)

    pltpu.async_copy(table_hbm.at[idx_v.at[pl.ds(0, _C)]], buf0, gsem0)

    def body(p, carry):
        i0 = 2 * p
        pltpu.async_copy(
            table_hbm.at[idx_v.at[pl.ds((i0 + 1) * _C, _C)]], buf1, gsem1
        )
        pltpu.make_async_copy(
            table_hbm.at[idx_v.at[pl.ds(i0 * _C, _C)]], buf0, gsem0
        ).wait()
        pltpu.sync_copy(buf0, out_hbm.at[row, pl.ds(col + i0 * _C, _C)])

        @pl.when(p < _NP - 1)
        def _():
            pltpu.async_copy(
                table_hbm.at[idx_v.at[pl.ds((i0 + 2) * _C, _C)]], buf0, gsem0
            )

        pltpu.make_async_copy(
            table_hbm.at[idx_v.at[pl.ds((i0 + 1) * _C, _C)]], buf1, gsem1
        ).wait()
        pltpu.sync_copy(buf1, out_hbm.at[row, pl.ds(col + (i0 + 1) * _C, _C)])
        return carry

    lax.fori_loop(0, _NP, body, 0)


@jax.jit
def kernel(input_ids, table):
    return _gather(input_ids, table)

# --- scband reference (transcript-rebuilt; emitter-appended) ---
"""Pipeline reference for scband-text-projection-90838558311221 (READ-ONLY COPY).

The authoritative reference and input builder live on the scoring server;
editing this copy changes nothing except your own understanding.
"""

import jax, jax.numpy as jnp
import numpy as np

NUM_EMBEDDINGS = 100000
EMBEDDING_DIM = 1024
BATCH = 4
SEQ_LEN = 4096


def setup_inputs(seed: int = 0) -> dict:
    key = jax.random.key(seed)
    k_idx, k_tab = jax.random.split(key)
    input_ids = jax.random.randint(k_idx, (BATCH, SEQ_LEN), 0, NUM_EMBEDDINGS, dtype=jnp.int64 if jax.config.jax_enable_x64 else jnp.int32)
    # Learned embedding table of the wrapped LLM's input embeddings
    table = jax.random.normal(k_tab, (NUM_EMBEDDINGS, EMBEDDING_DIM), dtype=jnp.float32) * 0.02
    return {"input_ids": input_ids, "table": table}


def reference(input_ids, table):
    # TextProjection.forward: embedding lookup of input_ids in the LLM's input
    # embedding table (nn.Embedding semantics: out[b, s, :] = table[input_ids[b, s], :])
    return jnp.take(table, input_ids, axis=0)

if __name__ == "__main__":
    import jax
    _d = setup_inputs()
    print(jax.jit(kernel)(*tuple(_d.values())))

</pallas_src>

<mosaic_0001>
#map = affine_map<(d0, d1) -> (0, 0)>
#map1 = affine_map<(d0, d1) -> (0, 0, 0)>
module attributes {stable_mosaic.version = 14 : i64} {
  func.func @_gather(%arg0: i32, %arg1: i32, %arg2: memref<4x4096xi32, #tpu.memory_space<hbm>>, %arg3: memref<100000x1024xf32, #tpu.memory_space<hbm>>, %arg4: memref<4x4096x1024xf32, #tpu.memory_space<hbm>>, %arg5: memref<512xi32, #tpu.memory_space<vmem>>, %arg6: memref<32x1024xf32, #tpu.memory_space<vmem>>, %arg7: memref<32x1024xf32, #tpu.memory_space<vmem>>, %arg8: memref<!tpu.dma_semaphore, #tpu.memory_space<semaphore_mem>>, %arg9: memref<!tpu.dma_semaphore, #tpu.memory_space<semaphore_mem>>) attributes {dimension_semantics = [#tpu.dimension_semantics<core_parallel>, #tpu.dimension_semantics<subcore_parallel>], iteration_bounds = array<i64: 2, 16>, scalar_prefetch = 0 : i64, scratch_operands = 5 : i64, tpu.core_type = #tpu.core_type<sc_vector_subcore>, window_params = [{transform_indices = #map}, {transform_indices = #map}, {transform_indices = #map1}]} {
    %mul3A = arith.constant 2 : i32
    %mul3A_0 = arith.muli %arg1, %mul3A : i32
    %add3A = arith.addi %mul3A_0, %arg0 : i32
    %jit3A = arith.constant 8 : i32
    %div3A = arith.divsi %add3A, %jit3A : i32
    %sign3A = arith.constant 0 : i32
    %sign3A_1 = arith.cmpi sgt, %add3A, %sign3A : i32
    %sign3A_2 = arith.extui %sign3A_1 : i1 to i32
    %sign3A_3 = arith.constant 0 : i32
    %sign3A_4 = arith.cmpi slt, %add3A, %sign3A_3 : i32
    %sign3A_5 = arith.extui %sign3A_4 : i1 to i32
    %sign3A_6 = arith.subi %sign3A_2, %sign3A_5 : i32
    %sign3A_7 = arith.constant 0 : i32
    %sign3A_8 = arith.cmpi sgt, %jit3A, %sign3A_7 : i32
    %sign3A_9 = arith.extui %sign3A_8 : i1 to i32
    %sign3A_10 = arith.constant 0 : i32
    %sign3A_11 = arith.cmpi slt, %jit3A, %sign3A_10 : i32
    %sign3A_12 = arith.extui %sign3A_11 : i1 to i32
    %sign3A_13 = arith.subi %sign3A_9, %sign3A_12 : i32
    %ne3A = arith.cmpi ne, %sign3A_6, %sign3A_13 : i32
    %rem3A = arith.remsi %add3A, %jit3A : i32
    %ne3A_14 = arith.constant 0 : i32
    %ne3A_15 = arith.cmpi ne, %rem3A, %ne3A_14 : i32
    %and3A = arith.andi %ne3A, %ne3A_15 : i1
    %sub3A = arith.constant 1 : i32
    %sub3A_16 = arith.subi %div3A, %sub3A : i32
    %select_n3A = arith.select %and3A, %sub3A_16, %div3A : i32
    %jit3A_17 = arith.constant 8 : i32
    %eq3A = arith.constant 0 : i32
    %eq3A_18 = arith.cmpi eq, %jit3A_17, %eq3A : i32
    %jit3A_19 = arith.constant 1 : i32
    %select_n3A_20 = arith.select %eq3A_18, %jit3A_19, %jit3A_17 : i32
    %rem3A_21 = arith.remsi %add3A, %select_n3A_20 : i32
    %ne3A_22 = arith.constant 0 : i32
    %ne3A_23 = arith.cmpi ne, %rem3A_21, %ne3A_22 : i32
    %lt3A = arith.constant 0 : i32
    %lt3A_24 = arith.cmpi slt, %rem3A_21, %lt3A : i32
    %lt3A_25 = arith.constant 0 : i32
    %lt3A_26 = arith.cmpi slt, %select_n3A_20, %lt3A_25 : i32
    %ne3A_27 = arith.xori %lt3A_24, %lt3A_26 : i1
    %and3A_28 = arith.andi %ne3A_27, %ne3A_23 : i1
    %add3A_29 = arith.addi %rem3A_21, %select_n3A_20 : i32
    %select_n3A_30 = arith.select %and3A_28, %add3A_29, %rem3A_21 : i32
    %mul3A_31 = arith.constant 512 : i32
    %mul3A_32 = arith.muli %select_n3A_30, %mul3A_31 : i32
    "tpu.region"() ({
      %run_scoped3A = tpu.sem_alloc : memref<!tpu.dma_semaphore, #tpu.memory_space<semaphore_mem>>
      %dma_start3A_42 = tpu.memref_slice %arg2[%select_n3A, %mul3A_32] : memref<4x4096xi32, #tpu.memory_space<hbm>> -> memref<1x512xi32, #tpu.memory_space<hbm>>
      %dma_start3A_43 = tpu.memref_squeeze %dma_start3A_42 : memref<1x512xi32, #tpu.memory_space<hbm>> -> memref<512xi32, #tpu.memory_space<hbm>>
      %dma_start3A_44 = tpu.memref_slice %arg2[%select_n3A, %mul3A_32] : memref<4x4096xi32, #tpu.memory_space<hbm>> -> memref<1x512xi32, #tpu.memory_space<hbm>>
      %dma_start3A_45 = tpu.memref_squeeze %dma_start3A_44 : memref<1x512xi32, #tpu.memory_space<hbm>> -> memref<512xi32, #tpu.memory_space<hbm>>
      tpu.enqueue_dma source(%dma_start3A_45 : memref<512xi32, #tpu.memory_space<hbm>>) target(%arg5 : memref<512xi32, #tpu.memory_space<vmem>>) target_semaphore(%run_scoped3A : memref<!tpu.dma_semaphore, #tpu.memory_space<semaphore_mem>>)
      %dma_wait3A = tpu.memref_slice %arg2[%select_n3A, %mul3A_32] : memref<4x4096xi32, #tpu.memory_space<hbm>> -> memref<1x512xi32, #tpu.memory_space<hbm>>
      %dma_wait3A_46 = tpu.memref_squeeze %dma_wait3A : memref<1x512xi32, #tpu.memory_space<hbm>> -> memref<512xi32, #tpu.memory_space<hbm>>
      %dma_wait3A_47 = tpu.memref_slice %arg2[%select_n3A, %mul3A_32] : memref<4x4096xi32, #tpu.memory_space<hbm>> -> memref<1x512xi32, #tpu.memory_space<hbm>>
      %dma_wait3A_48 = tpu.memref_squeeze %dma_wait3A_47 : memref<1x512xi32, #tpu.memory_space<hbm>> -> memref<512xi32, #tpu.memory_space<hbm>>
      tpu.wait_dma2 semaphore(%run_scoped3A : memref<!tpu.dma_semaphore, #tpu.memory_space<semaphore_mem>>) src(%dma_wait3A_48 : memref<512xi32, #tpu.memory_space<hbm>>) dst(%arg5 : memref<512xi32, #tpu.memory_space<vmem>>)
      tpu.yield
    }) : () -> ()
    %dma_start3A = arith.constant 0 : i32
    %dma_start3A_33 = tpu.memref_slice %arg5[%dma_start3A] : memref<512xi32, #tpu.memory_space<vmem>> -> memref<32xi32, #tpu.memory_space<vmem>>
    %dma_start3A_34 = arith.constant 0 : i32
    %dma_start3A_35 = arith.constant 0 : i32
    %dma_start3A_36 = tpu.memref_slice %arg3[%dma_start3A_34, %dma_start3A_35] : memref<100000x1024xf32, #tpu.memory_space<hbm>> -> memref<100000x1024xf32, #tpu.memory_space<hbm>>
    tpu.enqueue_indirect_dma source(%dma_start3A_36 : memref<100000x1024xf32, #tpu.memory_space<hbm>>) target(%arg6 : memref<32x1024xf32, #tpu.memory_space<vmem>>) offsets(%dma_start3A_33 : memref<32xi32, #tpu.memory_space<vmem>>) semaphore(%arg8 : memref<!tpu.dma_semaphore, #tpu.memory_space<semaphore_mem>>)
    %scan3A = arith.constant 0 : i32
    %scan3A_37 = arith.constant 0 : i32
    %scan3A_38 = arith.constant 8 : i32
    %scan3A_39 = arith.addi %scan3A_37, %scan3A_38 : i32
    %scan3A_40 = arith.constant 1 : i32
    scf.for %scan3A_42 = %scan3A_37 to %scan3A_39 step %scan3A_40  : i32 {
      %mul3A_43 = arith.constant 2 : i32
      %mul3A_44 = arith.muli %mul3A_43, %scan3A_42 : i32
      %add3A_45 = arith.constant 1 : i32
      %add3A_46 = arith.addi %mul3A_44, %add3A_45 : i32
      %mul3A_47 = arith.constant 32 : i32
      %mul3A_48 = arith.muli %add3A_46, %mul3A_47 : i32
      %dma_start3A_49 = tpu.memref_slice %arg5[%mul3A_48] : memref<512xi32, #tpu.memory_space<vmem>> -> memref<32xi32, #tpu.memory_space<vmem>>
      %dma_start3A_50 = arith.constant 0 : i32
      %dma_start3A_51 = arith.constant 0 : i32
      %dma_start3A_52 = tpu.memref_slice %arg3[%dma_start3A_50, %dma_start3A_51] : memref<100000x1024xf32, #tpu.memory_space<hbm>> -> memref<100000x1024xf32, #tpu.memory_space<hbm>>
      tpu.enqueue_indirect_dma source(%dma_start3A_52 : memref<100000x1024xf32, #tpu.memory_space<hbm>>) target(%arg7 : memref<32x1024xf32, #tpu.memory_space<vmem>>) offsets(%dma_start3A_49 : memref<32xi32, #tpu.memory_space<vmem>>) semaphore(%arg9 : memref<!tpu.dma_semaphore, #tpu.memory_space<semaphore_mem>>)
      %mul3A_53 = arith.constant 32 : i32
      %mul3A_54 = arith.muli %mul3A_44, %mul3A_53 : i32
      %dma_wait3A = tpu.memref_slice %arg5[%mul3A_54] : memref<512xi32, #tpu.memory_space<vmem>> -> memref<32xi32, #tpu.memory_space<vmem>>
      %dma_wait3A_55 = arith.constant 0 : i32
      %dma_wait3A_56 = arith.constant 0 : i32
      %dma_wait3A_57 = tpu.memref_slice %arg3[%dma_wait3A_55, %dma_wait3A_56] : memref<100000x1024xf32, #tpu.memory_space<hbm>> -> memref<100000x1024xf32, #tpu.memory_space<hbm>>
      tpu.wait_indirect_dma semaphore(%arg8 : memref<!tpu.dma_semaphore, #tpu.memory_space<semaphore_mem>>) src(%dma_wait3A_57 : memref<100000x1024xf32, #tpu.memory_space<hbm>>) dst(%arg6 : memref<32x1024xf32, #tpu.memory_space<vmem>>)
      %mul3A_58 = arith.constant 32 : i32
      %mul3A_59 = arith.muli %mul3A_44, %mul3A_58 : i32
      %add3A_60 = arith.addi %mul3A_32, %mul3A_59 : i32
      "tpu.region"() ({
        %run_scoped3A = tpu.sem_alloc : memref<!tpu.dma_semaphore, #tpu.memory_space<semaphore_mem>>
        %dma_start3A_77 = arith.constant 0 : i32
        %dma_start3A_78 = tpu.memref_slice %arg4[%select_n3A, %add3A_60, %dma_start3A_77] : memref<4x4096x1024xf32, #tpu.memory_space<hbm>> -> memref<1x32x1024xf32, #tpu.memory_space<hbm>>
        %dma_start3A_79 = tpu.memref_squeeze %dma_start3A_78 : memref<1x32x1024xf32, #tpu.memory_space<hbm>> -> memref<32x1024xf32, #tpu.memory_space<hbm>>
        %dma_start3A_80 = arith.constant 0 : i32
        %dma_start3A_81 = tpu.memref_slice %arg4[%select_n3A, %add3A_60, %dma_start3A_80] : memref<4x4096x1024xf32, #tpu.memory_space<hbm>> -> memref<1x32x1024xf32, #tpu.memory_space<hbm>>
        %dma_start3A_82 = tpu.memref_squeeze %dma_start3A_81 : memref<1x32x1024xf32, #tpu.memory_space<hbm>> -> memref<32x1024xf32, #tpu.memory_space<hbm>>
        tpu.enqueue_dma source(%arg6 : memref<32x1024xf32, #tpu.memory_space<vmem>>) target(%dma_start3A_82 : memref<32x1024xf32, #tpu.memory_space<hbm>>) target_semaphore(%run_scoped3A : memref<!tpu.dma_semaphore, #tpu.memory_space<semaphore_mem>>)
        %dma_wait3A_83 = arith.constant 0 : i32
        %dma_wait3A_84 = tpu.memref_slice %arg4[%select_n3A, %add3A_60, %dma_wait3A_83] : memref<4x4096x1024xf32, #tpu.memory_space<hbm>> -> memref<1x32x1024xf32, #tpu.memory_space<hbm>>
        %dma_wait3A_85 = tpu.memref_squeeze %dma_wait3A_84 : memref<1x32x1024xf32, #tpu.memory_space<hbm>> -> memref<32x1024xf32, #tpu.memory_space<hbm>>
        %dma_wait3A_86 = arith.constant 0 : i32
        %dma_wait3A_87 = tpu.memref_slice %arg4[%select_n3A, %add3A_60, %dma_wait3A_86] : memref<4x4096x1024xf32, #tpu.memory_space<hbm>> -> memref<1x32x1024xf32, #tpu.memory_space<hbm>>
        %dma_wait3A_88 = tpu.memref_squeeze %dma_wait3A_87 : memref<1x32x1024xf32, #tpu.memory_space<hbm>> -> memref<32x1024xf32, #tpu.memory_space<hbm>>
        tpu.wait_dma2 semaphore(%run_scoped3A : memref<!tpu.dma_semaphore, #tpu.memory_space<semaphore_mem>>) src(%arg6 : memref<32x1024xf32, #tpu.memory_space<vmem>>) dst(%dma_wait3A_88 : memref<32x1024xf32, #tpu.memory_space<hbm>>)
        tpu.yield
      }) : () -> ()
      %lt3A_61 = arith.constant 7 : i32
      %lt3A_62 = arith.cmpi slt, %scan3A_42, %lt3A_61 : i32
      %convert_element_type3A = arith.extui %lt3A_62 : i1 to i32
      %cond3A = arith.constant 0 : i32
      %cond3A_63 = arith.cmpi ne, %convert_element_type3A, %cond3A : i32
      scf.if %cond3A_63 {
        %add3A_77 = arith.constant 2 : i32
        %add3A_78 = arith.addi %mul3A_44, %add3A_77 : i32
        %mul3A_79 = arith.constant 32 : i32
        %mul3A_80 = arith.muli %add3A_78, %mul3A_79 : i32
        %dma_start3A_81 = tpu.memref_slice %arg5[%mul3A_80] : memref<512xi32, #tpu.memory_space<vmem>> -> memref<32xi32, #tpu.memory_space<vmem>>
        %dma_start3A_82 = arith.constant 0 : i32
        %dma_start3A_83 = arith.constant 0 : i32
        %dma_start3A_84 = tpu.memref_slice %arg3[%dma_start3A_82, %dma_start3A_83] : memref<100000x1024xf32, #tpu.memory_space<hbm>> -> memref<100000x1024xf32, #tpu.memory_space<hbm>>
        tpu.enqueue_indirect_dma source(%dma_start3A_84 : memref<100000x1024xf32, #tpu.memory_space<hbm>>) target(%arg6 : memref<32x1024xf32, #tpu.memory_space<vmem>>) offsets(%dma_start3A_81 : memref<32xi32, #tpu.memory_space<vmem>>) semaphore(%arg8 : memref<!tpu.dma_semaphore, #tpu.memory_space<semaphore_mem>>)
      } else {
      }
      %add3A_64 = arith.constant 1 : i32
      %add3A_65 = arith.addi %mul3A_44, %add3A_64 : i32
      %mul3A_66 = arith.constant 32 : i32
      %mul3A_67 = arith.muli %add3A_65, %mul3A_66 : i32
      %dma_wait3A_68 = tpu.memref_slice %arg5[%mul3A_67] : memref<512xi32, #tpu.memory_space<vmem>> -> memref<32xi32, #tpu.memory_space<vmem>>
      %dma_wait3A_69 = arith.constant 0 : i32
      %dma_wait3A_70 = arith.constant 0 : i32
      %dma_wait3A_71 = tpu.memref_slice %arg3[%dma_wait3A_69, %dma_wait3A_70] : memref<100000x1024xf32, #tpu.memory_space<hbm>> -> memref<100000x1024xf32, #tpu.memory_space<hbm>>
      tpu.wait_indirect_dma semaphore(%arg9 : memref<!tpu.dma_semaphore, #tpu.memory_space<semaphore_mem>>) src(%dma_wait3A_71 : memref<100000x1024xf32, #tpu.memory_space<hbm>>) dst(%arg7 : memref<32x1024xf32, #tpu.memory_space<vmem>>)
      %add3A_72 = arith.constant 1 : i32
      %add3A_73 = arith.addi %mul3A_44, %add3A_72 : i32
      %mul3A_74 = arith.constant 32 : i32
      %mul3A_75 = arith.muli %add3A_73, %mul3A_74 : i32
      %add3A_76 = arith.addi %mul3A_32, %mul3A_75 : i32
      "tpu.region"() ({
        %run_scoped3A = tpu.sem_alloc : memref<!tpu.dma_semaphore, #tpu.memory_space<semaphore_mem>>
        %dma_start3A_77 = arith.constant 0 : i32
        %dma_start3A_78 = tpu.memref_slice %arg4[%select_n3A, %add3A_76, %dma_start3A_77] : memref<4x4096x1024xf32, #tpu.memory_space<hbm>> -> memref<1x32x1024xf32, #tpu.memory_space<hbm>>
        %dma_start3A_79 = tpu.memref_squeeze %dma_start3A_78 : memref<1x32x1024xf32, #tpu.memory_space<hbm>> -> memref<32x1024xf32, #tpu.memory_space<hbm>>
        %dma_start3A_80 = arith.constant 0 : i32
        %dma_start3A_81 = tpu.memref_slice %arg4[%select_n3A, %add3A_76, %dma_start3A_80] : memref<4x4096x1024xf32, #tpu.memory_space<hbm>> -> memref<1x32x1024xf32, #tpu.memory_space<hbm>>
        %dma_start3A_82 = tpu.memref_squeeze %dma_start3A_81 : memref<1x32x1024xf32, #tpu.memory_space<hbm>> -> memref<32x1024xf32, #tpu.memory_space<hbm>>
        tpu.enqueue_dma source(%arg7 : memref<32x1024xf32, #tpu.memory_space<vmem>>) target(%dma_start3A_82 : memref<32x1024xf32, #tpu.memory_space<hbm>>) target_semaphore(%run_scoped3A : memref<!tpu.dma_semaphore, #tpu.memory_space<semaphore_mem>>)
        %dma_wait3A_83 = arith.constant 0 : i32
        %dma_wait3A_84 = tpu.memref_slice %arg4[%select_n3A, %add3A_76, %dma_wait3A_83] : memref<4x4096x1024xf32, #tpu.memory_space<hbm>> -> memref<1x32x1024xf32, #tpu.memory_space<hbm>>
        %dma_wait3A_85 = tpu.memref_squeeze %dma_wait3A_84 : memref<1x32x1024xf32, #tpu.memory_space<hbm>> -> memref<32x1024xf32, #tpu.memory_space<hbm>>
        %dma_wait3A_86 = arith.constant 0 : i32
        %dma_wait3A_87 = tpu.memref_slice %arg4[%select_n3A, %add3A_76, %dma_wait3A_86] : memref<4x4096x1024xf32, #tpu.memory_space<hbm>> -> memref<1x32x1024xf32, #tpu.memory_space<hbm>>
        %dma_wait3A_88 = tpu.memref_squeeze %dma_wait3A_87 : memref<1x32x1024xf32, #tpu.memory_space<hbm>> -> memref<32x1024xf32, #tpu.memory_space<hbm>>
        tpu.wait_dma2 semaphore(%run_scoped3A : memref<!tpu.dma_semaphore, #tpu.memory_space<semaphore_mem>>) src(%arg7 : memref<32x1024xf32, #tpu.memory_space<vmem>>) dst(%dma_wait3A_88 : memref<32x1024xf32, #tpu.memory_space<hbm>>)
        tpu.yield
      }) : () -> ()
    }
    %scan3A_41 = arith.constant 8 : i32
    return
  }
}

</mosaic_0001>

<sc_bundles>
// kernel: kernel.3.cloned.1.call-start
scs
__scs_entry_jumppad:
0x0: {  	(pc) =	sbr.rel $0x88, $3  }
0x1: {  	(tag) =	ssettag $0x0;
	lr =	simm.s32 $0x1  }
0x2: {  	[smem:$0x3F9F] =	sst lr;
	_ =	strace $0xD0000000  }
0x3: {  	_ = 	snop  }
0x4: {  	_ = 	snop  }
0x5: {  	_ = 	snop  }
0x6: {  	_ = 	snop  }
0x7: {  	_ = 	snop  }
__scs_overlays_trampoline_lowered:
0x8: {  	[smem:$0x3FAE] =	sst s0  }
0x9: {  	[smem:$0x3FAF] =	sst s1  }
0xa: {  	[smem:$0x3FB0] =	sst s2  }
0xb: {  	[smem:$0x3FB1] =	sst s3  }
0xc: {  	[smem:$0x3FB2] =	sst s4  }
0xd: {  	[smem:$0x3FB3] =	sst s5  }
0xe: {  	[smem:$0x3FB4] =	sst s6  }
0xf: {  	[smem:$0x3FB5] =	sst s7  }
0x10: {  	[smem:$0x3FB6] =	sst s8  }
0x11: {  	[smem:$0x3FB7] =	sst s9;
	s0 =	simm.s32 @!p0 $0x0  }
0x12: {  	s1 =	sld [smem:$0x3F9D];
	s0 =	simm.s32 @p0 $0x1  }
0x13: {  	[smem:$0x3FB8] =	sst s0;
	s0 =	simm.s32 @!p1 $0x0  }
0x14: {  	s2 =	sld [smem:$0x3F9C];
	s0 =	simm.s32 @p1 $0x1  }
0x15: {  	[smem:$0x3FB9] =	sst s0;
	s0 =	simm.s32 @!p2 $0x0  }
0x16: {  	s3 =	sld [smem:$0x3FDB];
	s0 =	simm.s32 @p2 $0x1  }
0x17: {  	s4 =	simm.s32 $0x1BF5;
	[smem:$0x3FBB] =	sst s0  }
0x18: {  	s0 =	sld [smem:$0x3F9E];
	_ =	swait.ge [sflag:s4], $0x0  }
0x19: {  	s7 =	sld [smem:$0x3F9F]  }
0x1a: {  	s8 =	sadd.s32 $0xFFFFE003, lr  }
0x1b: {  	s9 =	sadd.s32 $0xFFFFFEF7, lr;
	s5 =	simm.s32 $0xFFFFFFFF;
	p2 =	slt.u32 s8, $0xFFFFF086  }
0x1c: {  	p1 =	slt.u32 s9, $0xF7A;
	s5 =	simm.s32 @!p2 $0x0  }
0x1d: {  	s5 =	simm.s32 @p1 $0x1;
	p0 =	seq.s32 s7, s2  }
0x1e: {  	s7 =	smul.u32 @!p0 $0xF7A, s2;
	p2 =	seq.s32 @!p0 s5, $0x0  }
0x1f: {  	s9 =	smul.u32 $0xF7A, s1;
	s8 =	simm.s32 @!p0 $0x1BF5;
	p2 =	por !p2, p0  }
0x20: {  	[sflag:s8] =	ssyncset.s32 @!p0 $0xFFFFF086;
	s6 =	sadd.s32 @!p0 s3, s7;
	s7 =	simm.s32 @!p0 $0x108  }
0x21: {  	s3 =	sadd.s32 s3, s9;
	s6 =	sadd.s32 @!p0 $0x88, s6;
	s7 =	simm.s32 @p2 $0x1082  }
0x22: {  	[simem:s7], [sflag:s8] =	dma.local @!p0 [hbm:s6], $0xF7A  }
0x23: {  	s9 =	sor.u32 $0xD0000000, s2;
	s6 =	simm.s32 $0x108;
	_ =	swait.ge @!p0 [sflag:s8], $0x0  }
0x24: {  	s3 =	sadd.s32 $0x88, s3;
	s6 =	simm.s32 @!p1 $0x1082;
	[sflag:s4] =	ssyncset.s32 $0xFFFFF086  }
0x25: {  	[simem:s6], [sflag:s4] =	dma.local [hbm:s3], $0xF7A  }
0x26: {  	[smem:$0x3F9F] =	sst s1;
	(tag) =	ssettag s2;
	_ =	strace s9  }
0x27: {  	s1 =	sld [smem:$0x3FAF]  }
0x28: {  	s2 =	sld [smem:$0x3FB0]  }
0x29: {  	s4 =	sld [smem:$0x3FB2]  }
0x2a: {  	p0 =	seq.s32 s5, $0x0;
	s5 =	sld [smem:$0x3FB3]  }
0x2b: {  	s6 =	sld [smem:$0x3FB4]  }
0x2c: {  	s7 =	sld [smem:$0x3FB5]  }
0x2d: {  	s3 =	simm.s32 $0x108;
	s8 =	sld [smem:$0x3FB6]  }
0x2e: {  	s3 =	simm.s32 @!p0 $0x1082;
	s9 =	sld [smem:$0x3FB7]  }
0x2f: {  	lr =	sadd.s32 s0, s3;
	s0 =	sld [smem:$0x3FAE]  }
0x30: {  	s3 =	sld [smem:$0x3FB1]  }
0x31: {  	[smem:$0x3FBA] =	sst s10  }
0x32: {  	s10 =	sld [smem:$0x3FB8];
	_ =	sdelay $0x3  }
0x33: {  	p0 =	seq.s32 s10, $0x1;
	s10 =	sld [smem:$0x3FBA];
	_ =	sdelay $0x3  }
0x34: {  	[smem:$0x3FBA] =	sst s10  }
0x35: {  	s10 =	sld [smem:$0x3FB9];
	_ =	sdelay $0x3  }
0x36: {  	p1 =	seq.s32 s10, $0x1;
	s10 =	sld [smem:$0x3FBA];
	_ =	sdelay $0x3  }
0x37: {  	[smem:$0x3FBA] =	sst s10  }
0x38: {  	s10 =	sld [smem:$0x3FBB]  }
0x39: {  	_ = 	snop;
	(pc) =	sbr.ind lr, $3  }
0x3a: {  	_ = 	snop  }
0x3b: {  	_ = 	snop  }
0x3c: {  	p2 =	seq.s32 s10, $0x1;
	s10 =	sld [smem:$0x3FBA]  }
0x3d: {  	_ =	shalt  }
0x3e: {  	_ =	shalt  }
0x3f: {  	_ =	shalt  }
0x40: {  	_ =	shalt  }
0x41: {  	_ =	shalt  }
0x42: {  	_ =	shalt  }
0x43: {  	_ =	shalt  }
0x44: {  	_ =	shalt  }
0x45: {  	_ =	shalt  }
0x46: {  	_ =	shalt  }
0x47: {  	_ =	shalt  }
0x48: {  	_ =	shalt  }
0x49: {  	_ =	shalt  }
0x4a: {  	_ =	shalt  }
0x4b: {  	_ =	shalt  }
0x4c: {  	_ =	shalt  }
0x4d: {  	_ =	shalt  }
0x4e: {  	_ =	shalt  }
0x4f: {  	_ =	shalt  }
0x50: {  	_ =	shalt  }
0x51: {  	_ =	shalt  }
0x52: {  	_ =	shalt  }
0x53: {  	_ =	shalt  }
0x54: {  	_ =	shalt  }
0x55: {  	_ =	shalt  }
0x56: {  	_ =	shalt  }
0x57: {  	_ =	shalt  }
0x58: {  	_ =	shalt  }
0x59: {  	_ =	shalt  }
0x5a: {  	_ =	shalt  }
0x5b: {  	_ =	shalt  }
0x5c: {  	_ =	shalt  }
0x5d: {  	_ =	shalt  }
0x5e: {  	_ =	shalt  }
0x5f: {  	_ =	shalt  }
0x60: {  	_ =	shalt  }
0x61: {  	_ =	shalt  }
0x62: {  	_ =	shalt  }
0x63: {  	_ =	shalt  }
0x64: {  	_ =	shalt  }
0x65: {  	_ =	shalt  }
0x66: {  	_ =	shalt  }
0x67: {  	_ =	shalt  }
0x68: {  	_ =	shalt  }
0x69: {  	_ =	shalt  }
0x6a: {  	_ =	shalt  }
0x6b: {  	_ =	shalt  }
0x6c: {  	_ =	shalt  }
0x6d: {  	_ =	shalt  }
0x6e: {  	_ =	shalt  }
0x6f: {  	_ =	shalt  }
0x70: {  	_ =	shalt  }
0x71: {  	_ =	shalt  }
0x72: {  	_ =	shalt  }
0x73: {  	_ =	shalt  }
0x74: {  	_ =	shalt  }
0x75: {  	_ =	shalt  }
0x76: {  	_ =	shalt  }
0x77: {  	_ =	shalt  }
0x78: {  	_ =	shalt  }
0x79: {  	_ =	shalt  }
0x7a: {  	_ =	shalt  }
0x7b: {  	_ =	shalt  }
0x7c: {  	_ =	shalt  }
0x7d: {  	_ =	shalt  }
0x7e: {  	_ =	shalt  }
0x7f: {  	_ =	shalt  }
0x80: {  	_ =	shalt  }
0x81: {  	_ =	shalt  }
0x82: {  	_ =	shalt  }
0x83: {  	_ =	shalt  }
0x84: {  	_ =	shalt  }
0x85: {  	_ =	shalt  }
0x86: {  	_ =	shalt  }
0x87: {  	_ =	shalt  }
.Lfunc_end0:
.L_simem_size_0:
called_computation_lowered:
.L_overlay_start_0:
0x88: {  	s2 =	sld [smem:$0x3FD9]  }
0x89: {  	s3 =	sld [smem:$0x3FFE];
	_ =	sdelay $0x1  }
0x8a: {  	s1 =	srdreg.scid  }
0x8b: {  	s0 =	sand.u32 $0x1, s1  }
0x8c: {  	s18 =	sshll.u32 s0, $0xA;
	s2 =	sadd.s32 s3, s2  }
0x8d: {  	s2 =	sadd.s32 s2, s18  }
0x8e: {  	[smem:$0x3FC6] =	sst s2  }
0x8f: {  	_ = 	snop  }
0x90: {  	s2 =	sld [smem:$0x3FC9]  }
0x91: {  	s19 =	sld [smem:$0x3FC8]  }
0x92: {  	s4 =	sld [smem:$0x3FD0];
	(tm) =	ssettm $0x1  }
0x93: {  	s5 =	sld [smem:$0x3FFB];
	_ =	sdelay $0x3  }
0x94: {  	_ =	strace s5  }
0x95: {  	s5 =	sld [smem:$0x3FFC];
	_ =	sdelay $0x3  }
0x96: {  	_ =	strace s5  }
0x97: {  	s5 =	sld [smem:$0x3FFD];
	_ =	sdelay $0x3  }
0x98: {  	_ =	strace s5  }
0x99: {  	_ =	strace $0x8FFFFFFF  }
0x9a: {  	s20 =	sld [smem:$0x3FDB];
	_ =	sdelay $0x1  }
0x9b: {  	s6 =	simm.s32 $_scs_section_size  }
0x9c: {  	s7 =	simm.s32 $_size__tile_overlayer_lowered;
	s8 =	simm.s32 $_tile_overlayer_lowered  }
0x9d: {  	s23 =	simm.s32 $0x1BFF;
	s22 =	sshll.u32 s8, $0x1;
	s5 =	sadd.s32 s6, s20  }
0x9e: {  	s9 =	simm.s32 $0x0;
	s21 =	sshll.u32 s7, $0x1;
	s7 =	sadd.s32 s22, s5  }
0x9f: {  	[timem:s9], [sflag:s23] =	dma.local [hbm:s7], s21  }
0xa0: {  	_ =	swait.ge [sflag:s23], s21  }
0xa1: {  	s6 =	ssub.s32 $0x0, s21;
	[sflag:s23] =	ssyncset.done $0x0  }
0xa2: {  	[sflag:s23] =	ssyncadd.s32 s6;
	_ =	sdelay $0x1  }
0xa3: {  	s24 =	simm.s32 $0x1B8B  }
0xa4: {  	_ =	swait.ge [sflag:s24], $0x1  }
0xa5: {  	[sflag:s24] =	ssyncset.done $0x0  }
0xa6: {  	s25 =	simm.s32 $0x1B8E;
	[sflag:s24] =	ssyncadd.s32 $0xFFFFFFFF  }
0xa7: {  	s26 =	simm.s32 $execute0_lowered;
	[smem:$0x3FD2] =	sst s25  }
0xa8: {  	s6 =	sshll.u32 s26, $0x1;
	_ =	strace $0x80000046;
	[dreg:$0x1] =	wrdreg $0xFFFFFFFF  }
0xa9: {  	s28 =	simm.s32 $_size_execute0_lowered;
	s5 =	sadd.s32 s5, s6;
	[dreg:$0x0] =	wrdreg $0x0  }
0xaa: {  	s6 =	sshll.u32 s28, $0x1;
	[dreg:$0x2] =	wrdreg s5  }
0xab: {  	[dreg:$0x3] =	wrdreg s6  }
0xac: {  	[dreg:$0x4] =	wrdreg $0xC0  }
0xad: {  	_ =	task [dreg:s9], $0x5FFFF  }
0xae: {  	[dreg:$0x1] =	wrdreg $0xFFFFFFFF  }
0xaf: {  	[dreg:$0x0] =	wrdreg $0x60  }
0xb0: {  	[dreg:$0x2] =	wrdreg s2  }
0xb1: {  	[dreg:$0x3] =	wrdreg s19  }
0xb2: {  	[dreg:$0x4] =	wrdreg s4  }
0xb3: {  	[dreg:$0x5] =	wrdreg $0x9  }
0xb4: {  	_ =	task.clear_ibuf [dreg:s9], $0x6FFFF;
	_ =	strace $0x90000046  }
0xb5: {  	s29 =	simm.s32 $0x9;
	_ =	strace $0x80000048  }
0xb6: {  	_ =	swait.ge [sflag:s29], $0x1  }
0xb7: {  	[sflag:s29] =	ssyncadd.s32 $0xFFFFFFFF  }
0xb8: {  	_ =	strace $0x90000048  }
0xb9: {  	_ =	sfence  }
0xba: {  	s30 =	sld [smem:$0x0];
	_ =	sdelay $0x2  }
0xbb: {  	s31 =	sshll.u32 s1, $0xD;
	s1 =	sshrl.u32 s1, $0x2  }
0xbc: {  	s3 =	sand.u32 $0x4000, s31;
	s1 =	sadd.s32 s1, s30  }
0xbd: {  	s0 =	sor.u32 s3, s0;
	s1 =	sshll.u32 s1, $0x11  }
0xbe: {  	s0 =	sor.u32 s1, s0  }
0xbf: {  	s0 =	sadd.s32 $0x8F2B, s0  }
0xc0: {  	[sflag:s0] =	ssyncadd.remote.s32 $0x1  }
0xc1: {  	_ =	sfence.sel $0xFFFF  }
0xc2: {  	[dreg:$0x0] =	wrdreg $0xFFFFFFFF;
	(pc) =	sbr.abs _section_cstart, $3  }
0xc3: {  	[dreg:$0x1] =	wrdreg $0xFFFFFFFF  }
0xc4: {  	_ =	task.clear_ibuf [dreg:s9], $0x2FFFF;
	_ =	strace $0x9FFFFFFF  }
0xc5: {  	(tm) =	ssettm $0x7FFFFFFF  }
tec
execute0_lowered:
.L_overlay_start_1:
0x0: {  	(tag) =	ssettag $0x1  }
0x1: {  	s0 =	rddreg [dreg:$0x0]  }
0x2: {  	s1 =	rddreg [dreg:$0x1]  }
0x3: {  	s2 =	rddreg [dreg:$0x2];
	s4 =	srdreg.scid;
	s3 =	simm.s32 $0x0  }
0x4: {  	s9 =	stileid.u32;
	s14 =	simm.s32 $0x8A00;
	s15 =	simm.s32 $0x9200  }
0x5: {  	s16 =	simm.s32 $0x9A00;
	s17 =	simm.s32 $0xA200;
	s18 =	simm.s32 $0xAA00  }
0x6: {  	s19 =	simm.s32 $0xB200;
	s20 =	simm.s32 $0xBA00;
	s21 =	simm.s32 $0xC200  }
0x7: {  	s22 =	simm.s32 $0xCA00;
	s23 =	simm.s32 $0xD200;
	s24 =	simm.s32 $0xDA00  }
0x8: {  	s25 =	simm.s32 $0xE200;
	s26 =	simm.s32 $0xEA00;
	[smem:$0x7FF] =	sst s3  }
0x9: {  	s28 =	simm.s32 $0x8200;
	_ =	strace $0x80000047;
	[dreg:$0x6] =	wrdreg s14  }
0xa: {  	s29 =	simm.s32 $0xF200;
	s30 =	simm.s32 $0xFA00;
	[dreg:$0x7] =	wrdreg s15  }
0xb: {  	s31 =	simm.s32 $0x1;
	s4 =	sand.u32 $0x1, s4;
	[dreg:$0x8] =	wrdreg s16  }
0xc: {  	s7 =	sshll.u32 s9, $0x1;
	s8 =	sshrl.u32 s9, $0x2;
	[dreg:$0x9] =	wrdreg s17  }
0xd: {  	s9 =	sand.u32 $0x3, s9;
	s5 =	ssub.s32 $0x2, s4;
	[dreg:$0xa] =	wrdreg s18  }
0xe: {  	s7 =	sand.u32 $0x6, s7;
	s10 =	sshll.u32 s8, $0x16;
	[dreg:$0xb] =	wrdreg s19  }
0xf: {  	s9 =	sshll.u32 s9, $0x14;
	s8 =	sshll.u32 s8, $0x4;
	[dreg:$0xc] =	wrdreg s20  }
0x10: {  	s15 =	simm.s32 $0x2200;
	s16 =	simm.s32 $0x2A00;
	[dreg:$0xd] =	wrdreg s21  }
0x11: {  	s17 =	simm.s32 $0x3200;
	s18 =	simm.s32 $0x3A00;
	[dreg:$0xe] =	wrdreg s22  }
0x12: {  	s19 =	simm.s32 $0x4200;
	s20 =	simm.s32 $0x4A00;
	[dreg:$0xf] =	wrdreg s23  }
0x13: {  	s21 =	simm.s32 $0x5200;
	s22 =	simm.s32 $0x5A00;
	[dreg:$0x10] =	wrdreg s24  }
0x14: {  	s23 =	simm.s32 $0x6200;
	s24 =	simm.s32 $0x6A00;
	[dreg:$0x11] =	wrdreg s25  }
0x15: {  	[dreg:$0x12] =	wrdreg s26;
	s25 =	simm.s32 $0x7200;
	s26 =	simm.s32 $0x7A00  }
0x16: {  	s6 =	sshrl.u32 s5, $0x1;
	s7 =	sor.u32 s4, s7;
	s9 =	sor.u32 s9, s10  }
0x17: {  	s4 =	sshll.u32 s4, $0x13;
	s0 =	sadd.s32 s0, s8;
	s7 =	sshll.u32 s7, $0x8  }
0x18: {  	s9 =	sor.u32 s4, s9;
	s10 =	ssub.s32 s5, s6;
	s5 =	sadd.s32 $0x100, s1  }
0x19: {  	s6 =	sadd.s32 $0x200, s1;
	s4 =	sadd.s32 s7, s0;
	s11 =	sor.u32 $0x8000, s9  }
0x1a: {  	s7 =	sadd.s32 $0x300, s1;
	s12 =	sshrl.u32 s9, $0x3;
	s8 =	smax.u32 s10, $0x1  }
0x1b: {  	v2 =	vlaneseq.u32;
	s10 =	simm.s32 $0x200;
	s0 =	sshrl.u32 s11, $0x3;
	s13 =	sadd.s32 s12, s2  }
0x1c: {  	vm0 =	vmmov $0xffff;
	v1 =	vshrl.u32 v2, $0x3;
	s11 =	simm.s32 $0x3;
	s0 =	sadd.s32 s0, s2;
	[dreg:$0x5] =	wrdreg s13  }
0x1d: {  	v0 =	vand.u32 $0x7, v2;
	v2 =	vor.u32 $0x8, v2;
	v1 =	vmul.u32 $0x8, v1;
	s2 =	simm.s32 $0x0;
	[dreg:$0x4] =	wrdreg s0;
	s0 =	simm.s32 $0x2  }
.LBB2_1:
0x1e: {  	s9 =	simm.s32 $0x80  }
0x1f: {  	[tilespmem:s3], [sflag:$0x3] =	stream.strided.gather [hbm4b:s4+s9], $0x200, s10, s9, $0x38;
	[tilespmem:$0x10200] =	vst v63  }
0x20: {  	_ =	swait.ge [sflag:s11], $0x200  }
0x21: {  	[sflag:s11] =	ssyncset.done $0x0  }
0x22: {  	[sflag:s11] =	ssyncadd.s32 $0xFFFFFE00  }
0x23: {  	v3 =	vld [tilespmem:$0x0];
	_ =	sdelay $0x4  }
0x24: {  	v4 =	vshll.u32 v3, $0x3  }
0x25: {  	v3 =	vand.u32 $0x7, v3;
	v4 =	vand.u32 $0xFFFFFFC0, v4  }
0x26: {  	v3 =	vor.u32 v3, v4  }
0x27: {  	v4 =	vperm.xlane v3, v0;
	_ =	sdelay $0x1  }
0x28: {  	v4 =	vadd.s32 v1, v4;
	_ =	sdelay $0x4  }
0x29: {  	[tilespmem:s10], [sflag:$0x1] =	stream.indirect_vreg.gather [hbm4b:s1+s3], $0x80, v4, vm0, $0xb8;
	[tilespmem:$0x10200] =	vst v63  }
0x2a: {  	s12 =	simm.s32 $0xA00;
	v3 =	vperm.xlane v3, v2  }
0x2b: {  	[tilespmem:s12], [sflag:$0x1] =	stream.indirect_vreg.gather [hbm4b:s5+s3], $0x80, v4, vm0, $0xb8;
	[tilespmem:$0x10200] =	vst v63  }
0x2c: {  	s13 =	simm.s32 $0x1200;
	v3 =	vadd.s32 v1, v3  }
0x2d: {  	[tilespmem:s13], [sflag:$0x1] =	stream.indirect_vreg.gather [hbm4b:s6+s3], $0x80, v4, vm0, $0xb8;
	[tilespmem:$0x10200] =	vst v63  }
0x2e: {  	s14 =	simm.s32 $0x1A00  }
0x2f: {  	[tilespmem:s14], [sflag:$0x1] =	stream.indirect_vreg.gather [hbm4b:s7+s3], $0x80, v4, vm0, $0xb8;
	[tilespmem:$0x10200] =	vst v63  }
0x30: {  	_ = 	snop  }
0x31: {  	[tilespmem:s15], [sflag:$0x1] =	stream.indirect_vreg.gather [hbm4b:s1+s3], $0x80, v3, vm0, $0xb8;
	[tilespmem:$0x10200] =	vst v63  }
0x32: {  	_ = 	snop  }
0x33: {  	[tilespmem:s16], [sflag:$0x1] =	stream.indirect_vreg.gather [hbm4b:s5+s3], $0x80, v3, vm0, $0xb8;
	[tilespmem:$0x10200] =	vst v63  }
0x34: {  	_ = 	snop  }
0x35: {  	[tilespmem:s17], [sflag:$0x1] =	stream.indirect_vreg.gather [hbm4b:s6+s3], $0x80, v3, vm0, $0xb8;
	[tilespmem:$0x10200] =	vst v63  }
0x36: {  	_ = 	snop  }
0x37: {  	[tilespmem:s18], [sflag:$0x1] =	stream.indirect_vreg.gather [hbm4b:s7+s3], $0x80, v3, vm0, $0xb8;
	[tilespmem:$0x10200] =	vst v63  }
0x38: {  	v3 =	vld [tilespmem:$0x10];
	_ =	sdelay $0x4  }
0x39: {  	v63 =	vshll.u32 v3, $0x3  }
0x3a: {  	v3 =	vand.u32 $0x7, v3;
	v4 =	vand.u32 $0xFFFFFFC0, v63  }
0x3b: {  	v3 =	vor.u32 v3, v4  }
0x3c: {  	v4 =	vperm.xlane v3, v0;
	_ =	sdelay $0x1  }
0x3d: {  	v4 =	vadd.s32 v1, v4;
	_ =	sdelay $0x4  }
0x3e: {  	[tilespmem:s19], [sflag:$0x1] =	stream.indirect_vreg.gather [hbm4b:s1+s3], $0x80, v4, vm0, $0xb8;
	[tilespmem:$0x10200] =	vst v63  }
0x3f: {  	v3 =	vperm.xlane v3, v2  }
0x40: {  	[tilespmem:s20], [sflag:$0x1] =	stream.indirect_vreg.gather [hbm4b:s5+s3], $0x80, v4, vm0, $0xb8;
	[tilespmem:$0x10200] =	vst v63  }
0x41: {  	v3 =	vadd.s32 v1, v3  }
0x42: {  	[tilespmem:s21], [sflag:$0x1] =	stream.indirect_vreg.gather [hbm4b:s6+s3], $0x80, v4, vm0, $0xb8;
	[tilespmem:$0x10200] =	vst v63  }
0x43: {  	_ = 	snop  }
0x44: {  	[tilespmem:s22], [sflag:$0x1] =	stream.indirect_vreg.gather [hbm4b:s7+s3], $0x80, v4, vm0, $0xb8;
	[tilespmem:$0x10200] =	vst v63  }
0x45: {  	_ = 	snop  }
0x46: {  	[tilespmem:s23], [sflag:$0x1] =	stream.indirect_vreg.gather [hbm4b:s1+s3], $0x80, v3, vm0, $0xb8;
	[tilespmem:$0x10200] =	vst v63  }
0x47: {  	_ = 	snop  }
0x48: {  	[tilespmem:s24], [sflag:$0x1] =	stream.indirect_vreg.gather [hbm4b:s5+s3], $0x80, v3, vm0, $0xb8;
	[tilespmem:$0x10200] =	vst v63  }
0x49: {  	_ = 	snop  }
0x4a: {  	[tilespmem:s25], [sflag:$0x1] =	stream.indirect_vreg.gather [hbm4b:s6+s3], $0x80, v3, vm0, $0xb8;
	[tilespmem:$0x10200] =	vst v63  }
0x4b: {  	s9 =	simm.s32 $0x30;
	s12 =	simm.s32 $0x0  }
0x4c: {  	[tilespmem:s26], [sflag:$0x1] =	stream.indirect_vreg.gather [hbm4b:s7+s3], $0x80, v3, vm0, $0xb8;
	[tilespmem:$0x10200] =	vst v63  }
.LBB2_2:
0x4d: {  	v3 =	vld [tilespmem:s9+$0xFFFFFFF0];
	_ =	sdelay $0x4  }
0x4e: {  	v4 =	vshll.u32 v3, $0x3  }
0x4f: {  	v3 =	vand.u32 $0x7, v3;
	v4 =	vand.u32 $0xFFFFFFC0, v4  }
0x50: {  	v3 =	vor.u32 v3, v4  }
0x51: {  	v4 =	vperm.xlane v3, v0;
	_ =	sdelay $0x1  }
0x52: {  	v4 =	vadd.s32 v1, v4;
	_ =	sdelay $0x4  }
0x53: {  	[tilespmem:s28], [sflag:$0x2] =	stream.indirect_vreg.gather [hbm4b:s1+s3], $0x80, v4, vm0, $0xb8;
	[tilespmem:$0x10200] =	vst v63  }
0x54: {  	s13 =	rddreg [dreg:$0x6];
	v3 =	vperm.xlane v3, v2  }
0x55: {  	[tilespmem:s13], [sflag:$0x2] =	stream.indirect_vreg.gather [hbm4b:s5+s3], $0x80, v4, vm0, $0xb8;
	[tilespmem:$0x10200] =	vst v63  }
0x56: {  	s14 =	rddreg [dreg:$0x7];
	v3 =	vadd.s32 v1, v3  }
0x57: {  	[tilespmem:s14], [sflag:$0x2] =	stream.indirect_vreg.gather [hbm4b:s6+s3], $0x80, v4, vm0, $0xb8;
	[tilespmem:$0x10200] =	vst v63  }
0x58: {  	s13 =	rddreg [dreg:$0x8]  }
0x59: {  	[tilespmem:s13], [sflag:$0x2] =	stream.indirect_vreg.gather [hbm4b:s7+s3], $0x80, v4, vm0, $0xb8;
	[tilespmem:$0x10200] =	vst v63  }
0x5a: {  	s14 =	rddreg [dreg:$0x9]  }
0x5b: {  	[tilespmem:s14], [sflag:$0x2] =	stream.indirect_vreg.gather [hbm4b:s1+s3], $0x80, v3, vm0, $0xb8;
	[tilespmem:$0x10200] =	vst v63  }
0x5c: {  	s13 =	rddreg [dreg:$0xa]  }
0x5d: {  	[tilespmem:s13], [sflag:$0x2] =	stream.indirect_vreg.gather [hbm4b:s5+s3], $0x80, v3, vm0, $0xb8;
	[tilespmem:$0x10200] =	vst v63  }
0x5e: {  	s14 =	rddreg [dreg:$0xb]  }
0x5f: {  	[tilespmem:s14], [sflag:$0x2] =	stream.indirect_vreg.gather [hbm4b:s6+s3], $0x80, v3, vm0, $0xb8;
	[tilespmem:$0x10200] =	vst v63  }
0x60: {  	s13 =	rddreg [dreg:$0xc]  }
0x61: {  	[tilespmem:s13], [sflag:$0x2] =	stream.indirect_vreg.gather [hbm4b:s7+s3], $0x80, v3, vm0, $0xb8;
	[tilespmem:$0x10200] =	vst v63  }
0x62: {  	v3 =	vld [tilespmem:s9+$0x0];
	_ =	sdelay $0x4  }
0x63: {  	v63 =	vshll.u32 v3, $0x3  }
0x64: {  	v3 =	vand.u32 $0x7, v3;
	v4 =	vand.u32 $0xFFFFFFC0, v63  }
0x65: {  	v3 =	vor.u32 v3, v4  }
0x66: {  	v4 =	vperm.xlane v3, v0;
	_ =	sdelay $0x1  }
0x67: {  	v4 =	vadd.s32 v1, v4;
	_ =	sdelay $0x3  }
0x68: {  	s13 =	rddreg [dreg:$0xd]  }
0x69: {  	[tilespmem:s13], [sflag:$0x2] =	stream.indirect_vreg.gather [hbm4b:s1+s3], $0x80, v4, vm0, $0xb8;
	[tilespmem:$0x10200] =	vst v63  }
0x6a: {  	s14 =	rddreg [dreg:$0xe];
	v3 =	vperm.xlane v3, v2  }
0x6b: {  	[tilespmem:s14], [sflag:$0x2] =	stream.indirect_vreg.gather [hbm4b:s5+s3], $0x80, v4, vm0, $0xb8;
	[tilespmem:$0x10200] =	vst v63  }
0x6c: {  	v3 =	vadd.s32 v1, v3;
	s13 =	rddreg [dreg:$0xf]  }
0x6d: {  	[tilespmem:s13], [sflag:$0x2] =	stream.indirect_vreg.gather [hbm4b:s6+s3], $0x80, v4, vm0, $0xb8;
	[tilespmem:$0x10200] =	vst v63  }
0x6e: {  	s14 =	rddreg [dreg:$0x10]  }
0x6f: {  	[tilespmem:s14], [sflag:$0x2] =	stream.indirect_vreg.gather [hbm4b:s7+s3], $0x80, v4, vm0, $0xb8;
	[tilespmem:$0x10200] =	vst v63  }
0x70: {  	s13 =	rddreg [dreg:$0x11]  }
0x71: {  	[tilespmem:s13], [sflag:$0x2] =	stream.indirect_vreg.gather [hbm4b:s1+s3], $0x80, v3, vm0, $0xb8;
	[tilespmem:$0x10200] =	vst v63  }
0x72: {  	s14 =	rddreg [dreg:$0x12]  }
0x73: {  	[tilespmem:s14], [sflag:$0x2] =	stream.indirect_vreg.gather [hbm4b:s5+s3], $0x80, v3, vm0, $0xb8;
	[tilespmem:$0x10200] =	vst v63  }
0x74: {  	_ = 	snop  }
0x75: {  	[tilespmem:s29], [sflag:$0x2] =	stream.indirect_vreg.gather [hbm4b:s6+s3], $0x80, v3, vm0, $0xb8;
	[tilespmem:$0x10200] =	vst v63  }
0x76: {  	_ = 	snop  }
0x77: {  	[tilespmem:s30], [sflag:$0x2] =	stream.indirect_vreg.gather [hbm4b:s7+s3], $0x80, v3, vm0, $0xb8;
	[tilespmem:$0x10200] =	vst v63  }
0x78: {  	_ =	swait.ge [sflag:s31], $0x8000  }
0x79: {  	s14 =	rddreg [dreg:$0x5];
	[sflag:s31] =	ssyncset.done $0x0  }
0x7a: {  	[sflag:s31] =	ssyncadd.s32 $0xFFFF8000;
	s13 =	sadd.s32 s12, s14  }
0x7b: {  	[hbm4b:s13+s3] =	stream.linear.scatter [tilespmem:s10], [sflag:$0x3], $0x8000, $0x38;
	[tilespmem:$0x10200] =	vst v63  }
0x7c: {  	_ =	swait.ge [sflag:s11], $0x8000  }
0x7d: {  	[sflag:s11] =	ssyncset.done $0x0  }
0x7e: {  	p0 =	seq.s32 s12, $0xE000;
	[sflag:s11] =	ssyncadd.s32 $0xFFFF8000  }
0x7f: {  	v3 =	vld @!p0 [tilespmem:s9+$0x10];
	_ =	sdelay $0x4  }
0x80: {  	v4 =	vshll.u32 @!p0 v3, $0x3  }
0x81: {  	v5 =	vlaneseq.u32 @!p0;
	v3 =	vand.u32 @!p0 $0x7, v3;
	v4 =	vand.u32 @!p0 $0xFFFFFFC0, v4  }
0x82: {  	v6 =	vshrl.u32 @!p0 v5, $0x3;
	v3 =	vor.u32 @!p0 v3, v4;
	v4 =	vand.u32 @!p0 $0x7, v5  }
0x83: {  	v6 =	vmul.u32 @!p0 $0x8, v6;
	v7 =	vperm.xlane @!p0 v3, v4;
	_ =	sdelay $0x1  }
0x84: {  	v7 =	vadd.s32 @!p0 v6, v7;
	_ =	sdelay $0x3  }
0x85: {  	vm1 =	vmmov @!p0 $0xffff;
	s14 =	simm.s32 @!p0 $0x200;
	s13 =	simm.s32 @!p0 $0x0  }
0x86: {  	v5 =	vor.u32 @!p0 $0x8, v5;
	[tilespmem:s14], [sflag:$0x1] =	stream.indirect_vreg.gather @!p0 [hbm4b:s1+s13], $0x80, v7, vm1, $0xb8;
	[tilespmem:$0x10200] =	vst v63  }
0x87: {  	v3 =	vperm.xlane @!p0 v3, v5;
	s14 =	simm.s32 @!p0 $0xA00  }
0x88: {  	[tilespmem:s14], [sflag:$0x1] =	stream.indirect_vreg.gather @!p0 [hbm4b:s5+s13], $0x80, v7, vm1, $0xb8;
	[tilespmem:$0x10200] =	vst v63  }
0x89: {  	v3 =	vadd.s32 @!p0 v6, v3;
	s14 =	simm.s32 @!p0 $0x1200  }
0x8a: {  	[tilespmem:s14], [sflag:$0x1] =	stream.indirect_vreg.gather @!p0 [hbm4b:s6+s13], $0x80, v7, vm1, $0xb8;
	[tilespmem:$0x10200] =	vst v63  }
0x8b: {  	s14 =	simm.s32 @!p0 $0x1A00  }
0x8c: {  	[tilespmem:s14], [sflag:$0x1] =	stream.indirect_vreg.gather @!p0 [hbm4b:s7+s13], $0x80, v7, vm1, $0xb8;
	[tilespmem:$0x10200] =	vst v63  }
0x8d: {  	s14 =	simm.s32 @!p0 $0x2200  }
0x8e: {  	[tilespmem:s14], [sflag:$0x1] =	stream.indirect_vreg.gather @!p0 [hbm4b:s1+s13], $0x80, v3, vm1, $0xb8;
	[tilespmem:$0x10200] =	vst v63  }
0x8f: {  	s14 =	simm.s32 @!p0 $0x2A00  }
0x90: {  	[tilespmem:s14], [sflag:$0x1] =	stream.indirect_vreg.gather @!p0 [hbm4b:s5+s13], $0x80, v3, vm1, $0xb8;
	[tilespmem:$0x10200] =	vst v63  }
0x91: {  	s14 =	simm.s32 @!p0 $0x3200  }
0x92: {  	[tilespmem:s14], [sflag:$0x1] =	stream.indirect_vreg.gather @!p0 [hbm4b:s6+s13], $0x80, v3, vm1, $0xb8;
	[tilespmem:$0x10200] =	vst v63  }
0x93: {  	s14 =	simm.s32 @!p0 $0x3A00  }
0x94: {  	[tilespmem:s14], [sflag:$0x1] =	stream.indirect_vreg.gather @!p0 [hbm4b:s7+s13], $0x80, v3, vm1, $0xb8;
	[tilespmem:$0x10200] =	vst v63  }
0x95: {  	v3 =	vld @!p0 [tilespmem:s9+$0x20];
	_ =	sdelay $0x4  }
0x96: {  	v7 =	vshll.u32 @!p0 v3, $0x3  }
0x97: {  	v3 =	vand.u32 @!p0 $0x7, v3;
	v7 =	vand.u32 @!p0 $0xFFFFFFC0, v7  }
0x98: {  	v3 =	vor.u32 @!p0 v3, v7  }
0x99: {  	v4 =	vperm.xlane @!p0 v3, v4;
	_ =	sdelay $0x1  }
0x9a: {  	v4 =	vadd.s32 @!p0 v6, v4;
	_ =	sdelay $0x3  }
0x9b: {  	s14 =	simm.s32 @!p0 $0x4200  }
0x9c: {  	[tilespmem:s14], [sflag:$0x1] =	stream.indirect_vreg.gather @!p0 [hbm4b:s1+s13], $0x80, v4, vm1, $0xb8;
	[tilespmem:$0x10200] =	vst v63  }
0x9d: {  	v3 =	vperm.xlane @!p0 v3, v5;
	s14 =	simm.s32 @!p0 $0x4A00  }
0x9e: {  	[tilespmem:s14], [sflag:$0x1] =	stream.indirect_vreg.gather @!p0 [hbm4b:s5+s13], $0x80, v4, vm1, $0xb8;
	[tilespmem:$0x10200] =	vst v63  }
0x9f: {  	v3 =	vadd.s32 @!p0 v6, v3;
	s14 =	simm.s32 @!p0 $0x5200  }
0xa0: {  	[tilespmem:s14], [sflag:$0x1] =	stream.indirect_vreg.gather @!p0 [hbm4b:s6+s13], $0x80, v4, vm1, $0xb8;
	[tilespmem:$0x10200] =	vst v63  }
0xa1: {  	s14 =	simm.s32 @!p0 $0x5A00  }
0xa2: {  	[tilespmem:s14], [sflag:$0x1] =	stream.indirect_vreg.gather @!p0 [hbm4b:s7+s13], $0x80, v4, vm1, $0xb8;
	[tilespmem:$0x10200] =	vst v63  }
0xa3: {  	s14 =	simm.s32 @!p0 $0x6200  }
0xa4: {  	[tilespmem:s14], [sflag:$0x1] =	stream.indirect_vreg.gather @!p0 [hbm4b:s1+s13], $0x80, v3, vm1, $0xb8;
	[tilespmem:$0x10200] =	vst v63  }
0xa5: {  	s14 =	simm.s32 @!p0 $0x6A00  }
0xa6: {  	[tilespmem:s14], [sflag:$0x1] =	stream.indirect_vreg.gather @!p0 [hbm4b:s5+s13], $0x80, v3, vm1, $0xb8;
	[tilespmem:$0x10200] =	vst v63  }
0xa7: {  	s14 =	simm.s32 @!p0 $0x7200  }
0xa8: {  	[tilespmem:s14], [sflag:$0x1] =	stream.indirect_vreg.gather @!p0 [hbm4b:s6+s13], $0x80, v3, vm1, $0xb8;
	[tilespmem:$0x10200] =	vst v63  }
0xa9: {  	s14 =	simm.s32 @!p0 $0x7A00  }
0xaa: {  	[tilespmem:s14], [sflag:$0x1] =	stream.indirect_vreg.gather @!p0 [hbm4b:s7+s13], $0x80, v3, vm1, $0xb8;
	[tilespmem:$0x10200] =	vst v63  }
0xab: {  	_ =	swait.ge [sflag:s0], $0x8000  }
0xac: {  	s14 =	rddreg [dreg:$0x4]  }
0xad: {  	s13 =	sadd.s32 s12, s14;
	s12 =	sadd.s32 $0x2000, s12  }
0xae: {  	[sflag:s0] =	ssyncset.done $0x0;
	p0 =	sne.s32 s12, $0x10000  }
.Ltmp0:
0xaf: {  	[sflag:s0] =	ssyncadd.s32 $0xFFFF8000;
	(pc) =	sbr.rel @p0 .LBB2_2-.Ltmp0, $4  }
0xb0: {  	[hbm4b:s13+s3] =	stream.linear.scatter [tilespmem:s28], [sflag:$0x3], $0x8000, $0x38;
	[tilespmem:$0x10200] =	vst v63  }
0xb1: {  	_ =	swait.ge [sflag:s11], $0x8000  }
0xb2: {  	[sflag:s11] =	ssyncset.done $0x0  }
0xb3: {  	s9 =	sadd.s32 $0x40, s9;
	[sflag:s11] =	ssyncadd.s32 $0xFFFF8000  }
0xb4: {  	s2 =	sadd.s32 $0x1, s2  }
0xb5: {  	p0 =	sne.s32 s2, s8  }
.Ltmp1:
0xb6: {  	_ = 	snop;
	(pc) =	sbr.rel @p0 .LBB2_1-.Ltmp1, $1  }
0xb7: {  	_ =	sdelay $0x3  }
0xb8: {  	_ =	sfence.sel $0x180000  }
0xb9: {  	[bflag:$0x0] =	sbarrier.arrive $0xFFFF  }
0xba: {  	_ =	strace $0x90000047  }
0xbb: {  	s0 =	stileid.u32;
	[bflag:$0x2] =	sbarrier.arrive $0xFFFF  }
0xbc: {  	p0 =	sne.s32 s0, $0x0;
	s0 =	rddreg [dreg:$0x3]  }
0xbd: {  	s0 =	sadd.s32 @!p0 $0x100000, s0  }
0xbe: {  	[sflag:s0] =	ssyncadd.tile.s32 @!p0 $0x1;
	_ =	shalt  }
.Lfunc_end2:
_tile_overlayer_lowered:
.L_overlay_start_2:
0xbf: {  	(tag) =	ssettag $0x2  }
0xc0: {  	s0 =	rddreg [dreg:$0x0];
	s2 =	stileid.u32  }
0xc1: {  	s1 =	rddreg [dreg:$0x1];
	p0 =	sne.s32 s2, $0x0  }
0xc2: {  	s3 =	rddreg [dreg:$0x2];
	[bflag:$0x3] =	sbarrier.arrive $0xFFFF;
	s2 =	simm.s32 @!p0 $0x1C03  }
0xc3: {  	[timem:s3], [sflag:s2] =	dma.local @!p0 [hbm:s0], s1  }
0xc4: {  	s0 =	simm.s32 @!p0 $0x3  }
0xc5: {  	_ =	swait.ge @!p0 [sflag:s0], s1  }
0xc6: {  	s1 =	ssub.s32 @!p0 $0x0, s1;
	[sflag:s0] =	ssyncset.done @!p0 $0x0  }
0xc7: {  	[sflag:s0] =	ssyncadd.s32 @!p0 s1  }
0xc8: {  	[bflag:$0x3] =	sbarrier.arrive $0xFFFF  }
0xc9: {  	_ =	shalt  }

</sc_bundles>
